<compile_context>
chip_gen: v7x
topology: tpu7x:2x2x1
jax: 0.10.2.dev20260603
libtpu: 0.0.44.dev20260713+nightly
codegen_flags: <defaults>
</compile_context>

<pallas_src>
import functools

import jax
import jax.numpy as jnp
from jax import lax
from jax.experimental import pallas as pl
from jax.experimental.pallas import tpu as pltpu
from jax.experimental.pallas import tpu_sc as plsc

N_NODES = 10000
N_EDGES = 160000
D = 256
HALF = 128

NC = 2
NS = 16

DEG_EPW = N_EDGES // (NC * NS)
DEG_CH = 100
DEG_NCH = DEG_EPW // DEG_CH

STR_OFF = 624
STR_LEN = 640

AGG_EPT = N_EDGES // NS
AGG_CH = 80
AGG_NCH = AGG_EPT // AGG_CH

PASS_ROWS = 5000
ACC_ROWS = 5008
PSTR_OFF = 312
PSTR_LEN = 328

_mesh = functools.partial(
    plsc.VectorSubcoreMesh,
    core_axis_name="c", subcore_axis_name="s",
    num_cores=NC, num_subcores=NS)


def _sc_deg_body(dst_hbm, ew_hbm, out_hbm, dstv, ewv, zb, deg_sh):
    c = lax.axis_index("c")
    s = lax.axis_index("s")
    for i in range(STR_LEN // 16):
        zb[pl.ds(i * 16, 16)] = jnp.zeros((16,), jnp.float32)
    pltpu.sync_copy(zb, deg_sh.at[pl.ds(s * STR_OFF, STR_LEN)])
    pltpu.sync_copy(dst_hbm.at[c, s], dstv)
    pltpu.sync_copy(ew_hbm.at[c, s], ewv)
    plsc.subcore_barrier()

    def add_chunk(k, carry):
        pltpu.sync_copy(ewv.at[k], deg_sh.at[dstv.at[k]], add=True)
        return carry

    lax.fori_loop(0, DEG_NCH, add_chunk, 0)
    plsc.subcore_barrier()
    pltpu.sync_copy(deg_sh.at[pl.ds(s * STR_OFF, STR_LEN)], zb)
    pltpu.sync_copy(zb, out_hbm.at[pl.ds(c * N_NODES + s * STR_OFF, STR_LEN)])


@jax.jit
def _sc_deg(dst4, ew4):
    return pl.kernel(
        _sc_deg_body,
        out_type=jax.ShapeDtypeStruct((NC * N_NODES,), jnp.float32),
        mesh=_mesh(),
        scratch_types=[
            pltpu.VMEM((DEG_NCH, DEG_CH), jnp.int32),
            pltpu.VMEM((DEG_NCH, DEG_CH), jnp.float32),
            pltpu.VMEM((STR_LEN,), jnp.float32),
            pltpu.VMEM_SHARED((N_NODES,), jnp.float32),
        ],
    )(dst4, ew4)


def _sc_agg_body(p, src_hbm, dst_hbm, ew_hbm, hp0_hbm, hp1_hbm,
                 out0_hbm, out1_hbm,
                 srcv, dstv, ewv, buf0, buf1, buf2, acc_sh,
                 sem0, sem1, sem2, sems0, sems1, sems2):
    c = lax.axis_index("c")
    s = lax.axis_index("s")

    def zero_row(i, carry):
        for j in range(HALF // 16):
            buf0[i, pl.ds(j * 16, 16)] = jnp.zeros((16,), jnp.float32)
        return carry

    lax.fori_loop(0, AGG_CH, zero_row, 0)

    for off, ln in ((0, 80), (80, 80), (160, 80), (240, 80), (320, 8)):
        pltpu.sync_copy(buf0.at[pl.ds(0, ln)],
                        acc_sh.at[pl.ds(s * PSTR_OFF + off, ln)])

    pltpu.sync_copy(src_hbm.at[s], srcv)
    pltpu.sync_copy(dst_hbm.at[s], dstv)
    pltpu.sync_copy(ew_hbm.at[s], ewv)

    slack = PASS_ROWS + lax.rem(s, 8)

    def adjust(k, carry):
        for g in range(AGG_CH // 16):
            sl = pl.ds(g * 16, 16)
            ld = dstv[k, sl] - p * PASS_ROWS
            inr = (ld >= 0) & (ld < PASS_ROWS)
            dstv[k, sl] = jnp.where(inr, ld, slack)
            ewv[k, sl] = jnp.where(inr, ewv[k, sl], 0.0)
        return carry

    lax.fori_loop(0, AGG_NCH, adjust, 0)
    plsc.subcore_barrier()

    def start_gather(k, buf, sem):
        @pl.when(c == 0)
        def _():
            pltpu.async_copy(hp0_hbm.at[srcv.at[k]], buf, sem)

        @pl.when(c == 1)
        def _():
            pltpu.async_copy(hp1_hbm.at[srcv.at[k]], buf, sem)

    def wait_gather(buf, sem):
        pltpu.make_async_copy(hp0_hbm.at[pl.ds(0, AGG_CH)], buf, sem).wait()

    def start_scatter(k, buf, sem):
        pltpu.async_copy(buf, acc_sh.at[dstv.at[k]], sem, add=True)

    def wait_scatter(buf, sem):
        pltpu.make_async_copy(buf, acc_sh.at[pl.ds(0, AGG_CH)], sem).wait()

    def scale(k, buf):
        def group(g, gcarry):
            w16 = ewv[k, pl.ds(g * 16, 16)]
            for l in range(16):
                w = jnp.broadcast_to(w16[l:l + 1], (16,))
                row = g * 16 + l
                for j in range(HALF // 16):
                    buf[row, pl.ds(j * 16, 16)] = buf[row, pl.ds(j * 16, 16)] * w
            return gcarry

        lax.fori_loop(0, AGG_CH // 16, group, 0)

    bufs = (buf0, buf1, buf2)
    gsems = (sem0, sem1, sem2)
    ssems = (sems0, sems1, sems2)
    start_gather(0, buf0, sem0)
    start_gather(1, buf1, sem1)

    def triple(t, carry):
        for j in range(3):
            kk = 3 * t + j
            b, sg, ss = bufs[j], gsems[j], ssems[j]
            bp, sgp, ssp = bufs[j - 1], gsems[j - 1], ssems[j - 1]

            @pl.when(kk < AGG_NCH)
            def _():
                wait_gather(b, sg)
                scale(kk, b)
                start_scatter(kk, b, ss)

                @pl.when(kk >= 1)
                def _():
                    wait_scatter(bp, ssp)

                @pl.when(kk + 2 < AGG_NCH)
                def _():
                    start_gather(kk + 2, bp, sgp)

        return carry

    lax.fori_loop(0, (AGG_NCH + 2) // 3, triple, 0)
    wait_scatter(bufs[(AGG_NCH - 1) % 3], ssems[(AGG_NCH - 1) % 3])
    plsc.subcore_barrier()

    def wb_one(off, ln):
        pltpu.sync_copy(acc_sh.at[pl.ds(off, ln)], buf0.at[pl.ds(0, ln)])

        @pl.when(c == 0)
        def _():
            pltpu.sync_copy(buf0.at[pl.ds(0, ln)], out0_hbm.at[pl.ds(off, ln)])

        @pl.when(c == 1)
        def _():
            pltpu.sync_copy(buf0.at[pl.ds(0, ln)], out1_hbm.at[pl.ds(off, ln)])

    for off, ln in ((0, 80), (80, 80), (160, 80), (240, 80), (320, 8)):
        wb_one(s * PSTR_OFF + off, ln)


def _make_agg(p):
    @jax.jit
    def agg(src3, dst3, ew3, hp0, hp1):
        return pl.kernel(
            functools.partial(_sc_agg_body, p),
            out_type=[jax.ShapeDtypeStruct((ACC_ROWS, HALF), jnp.float32),
                      jax.ShapeDtypeStruct((ACC_ROWS, HALF), jnp.float32)],
            mesh=_mesh(),
            scratch_types=[
                pltpu.VMEM((AGG_NCH, AGG_CH), jnp.int32),
                pltpu.VMEM((AGG_NCH, AGG_CH), jnp.int32),
                pltpu.VMEM((AGG_NCH, AGG_CH), jnp.float32),
                pltpu.VMEM((AGG_CH, HALF), jnp.float32),
                pltpu.VMEM((AGG_CH, HALF), jnp.float32),
                pltpu.VMEM((AGG_CH, HALF), jnp.float32),
                pltpu.VMEM_SHARED((ACC_ROWS, HALF), jnp.float32),
                pltpu.SemaphoreType.DMA,
                pltpu.SemaphoreType.DMA,
                pltpu.SemaphoreType.DMA,
                pltpu.SemaphoreType.DMA,
                pltpu.SemaphoreType.DMA,
                pltpu.SemaphoreType.DMA,
            ],
        )(src3, dst3, ew3, hp0, hp1)

    return agg


_sc_agg_p0 = _make_agg(0)
_sc_agg_p1 = _make_agg(1)


ROWS_BLK = 2000
GRID = N_NODES // ROWS_BLK


def _dinv_of(deg_ref):
    deg = deg_ref[0, 0, :] + deg_ref[0, 1, :] + 1.0
    return lax.rsqrt(deg)


def _h_blk():
    return pl.BlockSpec((ROWS_BLK, HALF), lambda i: (i, 0))


def _deg_spec():
    return pl.BlockSpec((1, NC, ROWS_BLK), lambda i: (i, 0, 0))


def _h_shapes():
    return [jax.ShapeDtypeStruct((N_NODES, HALF), jnp.float32)] * 2


def _tc_a_body(x_ref, w_ref, deg_ref, o0, o1):
    h = jnp.dot(x_ref[...], w_ref[...], preferred_element_type=jnp.float32)
    hp = h * _dinv_of(deg_ref)[:, None]
    o0[...] = hp[:, :HALF]
    o1[...] = hp[:, HALF:]


@jax.jit
def _tc_a(x, W1, degr):
    return pl.pallas_call(
        _tc_a_body,
        grid=(GRID,),
        in_specs=[
            pl.BlockSpec((ROWS_BLK, D), lambda i: (i, 0)),
            pl.BlockSpec((D, D), lambda i: (0, 0)),
            _deg_spec(),
        ],
        out_specs=[_h_blk(), _h_blk()],
        out_shape=_h_shapes(),
    )(x, W1, degr)


def _tc_b_body(a0, a1, h0, h1, deg_ref, b_ref, w_ref, o0, o1):
    dinv = _dinv_of(deg_ref)[:, None]
    b = b_ref[...]
    u_lo = dinv * (a0[...] + h0[...]) + b[:HALF][None, :]
    u_hi = dinv * (a1[...] + h1[...]) + b[HALF:][None, :]
    z = jnp.maximum(jnp.concatenate([u_lo, u_hi], axis=1), 0.0)
    h2 = jnp.dot(z, w_ref[...], preferred_element_type=jnp.float32) * dinv
    o0[...] = h2[:, :HALF]
    o1[...] = h2[:, HALF:]


@jax.jit
def _tc_b(a0, a1, h0, h1, degr, b1, W2):
    return pl.pallas_call(
        _tc_b_body,
        grid=(GRID,),
        in_specs=[_h_blk(), _h_blk(), _h_blk(), _h_blk(),
                  _deg_spec(),
                  pl.BlockSpec((D,), lambda i: (0,)),
                  pl.BlockSpec((D, D), lambda i: (0, 0))],
        out_specs=[_h_blk(), _h_blk()],
        out_shape=_h_shapes(),
    )(a0, a1, h0, h1, degr, b1, W2)


def _tc_c_body(a0, a1, h0, h1, deg_ref, b_ref, out_ref):
    dinv = _dinv_of(deg_ref)[:, None]
    lo = dinv * (a0[...] + h0[...])
    hi = dinv * (a1[...] + h1[...])
    out_ref[...] = jnp.concatenate([lo, hi], axis=1) + b_ref[...][None, :]


@jax.jit
def _tc_c(a0, a1, h0, h1, degr, b2):
    return pl.pallas_call(
        _tc_c_body,
        grid=(GRID,),
        in_specs=[_h_blk(), _h_blk(), _h_blk(), _h_blk(),
                  _deg_spec(),
                  pl.BlockSpec((D,), lambda i: (0,))],
        out_specs=pl.BlockSpec((ROWS_BLK, D), lambda i: (i, 0)),
        out_shape=jax.ShapeDtypeStruct((N_NODES, D), jnp.float32),
    )(a0, a1, h0, h1, degr, b2)


def _agg_both(src3, dst3, ew3, hp0, hp1):
    aA0, aA1 = _sc_agg_p0(src3, dst3, ew3, hp0, hp1)
    aB0, aB1 = _sc_agg_p1(src3, dst3, ew3, hp0, hp1)
    a0 = jnp.concatenate([aA0[:PASS_ROWS], aB0[:PASS_ROWS]], axis=0)
    a1 = jnp.concatenate([aA1[:PASS_ROWS], aB1[:PASS_ROWS]], axis=0)
    return a0, a1


def kernel(x, edge_index, edge_weight, W1, b1, W2, b2):
    src = edge_index[0].astype(jnp.int32)
    dst = edge_index[1].astype(jnp.int32)
    ew = edge_weight.astype(jnp.float32)

    dst4 = dst.reshape(NC, NS, DEG_NCH, DEG_CH)
    ew4 = ew.reshape(NC, NS, DEG_NCH, DEG_CH)
    src3 = src.reshape(NS, AGG_NCH, AGG_CH)
    dst3 = dst.reshape(NS, AGG_NCH, AGG_CH)
    ew3 = ew.reshape(NS, AGG_NCH, AGG_CH)

    degf = _sc_deg(dst4, ew4)
    degr = degf.reshape(NC, GRID, ROWS_BLK).transpose(1, 0, 2)

    h10, h11 = _tc_a(x, W1, degr)
    a10, a11 = _agg_both(src3, dst3, ew3, h10, h11)
    h20, h21 = _tc_b(a10, a11, h10, h11, degr, b1, W2)
    a20, a21 = _agg_both(src3, dst3, ew3, h20, h21)
    return _tc_c(a20, a21, h20, h21, degr, b2)

# --- scband reference (transcript-rebuilt; emitter-appended) ---
"""Pipeline reference for scband-gcn-18098992185929 (READ-ONLY COPY).

The authoritative reference and input builder live on the scoring server;
editing this copy changes nothing except your own understanding.
"""

import jax, jax.numpy as jnp
import numpy as np

N_NODES = 10000
N_EDGES = 160000
D_IN = 256
D_HID = 256
D_OUT = 256


def gcn_conv(x, src, dst, ew, W, b, num_nodes):
    # PyG GCNConv defaults: add self-loops (weight 1.0), symmetric normalization, bias.
    loop_idx = jnp.arange(num_nodes, dtype=src.dtype)
    src_f = jnp.concatenate([src, loop_idx])
    dst_f = jnp.concatenate([dst, loop_idx])
    ew_f = jnp.concatenate([ew, jnp.ones((num_nodes,), dtype=ew.dtype)])
    deg = jnp.zeros((num_nodes,), dtype=ew.dtype).at[dst_f].add(ew_f)
    deg_inv_sqrt = jnp.where(deg > 0, 1.0 / jnp.sqrt(jnp.maximum(deg, 1e-12)), 0.0)
    norm = deg_inv_sqrt[src_f] * ew_f * deg_inv_sqrt[dst_f]
    h = x @ W
    msgs = h[src_f] * norm[:, None]
    out = jnp.zeros((num_nodes, W.shape[1]), dtype=h.dtype).at[dst_f].add(msgs)
    return out + b


def setup_inputs(seed: int = 0) -> dict:
    key = jax.random.key(seed)
    k_x, k_ei, k_ew, k_w1, k_b1, k_w2, k_b2 = jax.random.split(key, 7)
    x = jax.random.normal(k_x, (N_NODES, D_IN), dtype=jnp.float32)
    edge_index = jax.random.randint(k_ei, (2, N_EDGES), 0, N_NODES, dtype=jnp.int64)
    edge_weight = jax.random.uniform(k_ew, (N_EDGES,), dtype=jnp.float32)
    s1 = 1.0 / np.sqrt(D_IN)
    s2 = 1.0 / np.sqrt(D_HID)
    W1 = jax.random.uniform(k_w1, (D_IN, D_HID), dtype=jnp.float32, minval=-s1, maxval=s1)
    b1 = jax.random.uniform(k_b1, (D_HID,), dtype=jnp.float32, minval=-s1, maxval=s1)
    W2 = jax.random.uniform(k_w2, (D_HID, D_OUT), dtype=jnp.float32, minval=-s2, maxval=s2)
    b2 = jax.random.uniform(k_b2, (D_OUT,), dtype=jnp.float32, minval=-s2, maxval=s2)
    return {"x": x, "edge_index": edge_index, "edge_weight": edge_weight,
            "W1": W1, "b1": b1, "W2": W2, "b2": b2}


def reference(x, edge_index, edge_weight, W1, b1, W2, b2):
    src = edge_index[0]
    dst = edge_index[1]
    h = gcn_conv(x, src, dst, edge_weight, W1, b1, N_NODES)
    h = jax.nn.relu(h)
    out = gcn_conv(h, src, dst, edge_weight, W2, b2, N_NODES)
    return out

if __name__ == "__main__":
    import jax
    _d = setup_inputs()
    print(jax.jit(kernel)(*tuple(_d.values())))

</pallas_src>

<mosaic_0001>
#map = affine_map<(d0, d1) -> (0, 0, 0, 0)>
#map1 = affine_map<(d0, d1) -> (0)>
module attributes {stable_mosaic.version = 14 : i64} {
  func.func @_sc_deg_body(%arg0: i32, %arg1: i32, %arg2: memref<2x16x50x100xi32, #tpu.memory_space<hbm>>, %arg3: memref<2x16x50x100xf32, #tpu.memory_space<hbm>>, %arg4: memref<20000xf32, #tpu.memory_space<hbm>>, %arg5: memref<50x100xi32, #tpu.memory_space<vmem>>, %arg6: memref<50x100xf32, #tpu.memory_space<vmem>>, %arg7: memref<640xf32, #tpu.memory_space<vmem>>, %arg8: memref<10000xf32, #tpu.memory_space<vmem_shared>>) attributes {dimension_semantics = [#tpu.dimension_semantics<core_parallel>, #tpu.dimension_semantics<subcore_parallel>], iteration_bounds = array<i64: 2, 16>, scalar_prefetch = 0 : i64, scratch_operands = 4 : i64, tpu.core_type = #tpu.core_type<sc_vector_subcore>, window_params = [{transform_indices = #map}, {transform_indices = #map}, {transform_indices = #map1}]} {
    %broadcast_in_dim3A = arith.constant 0.000000e+00 : f32
    %broadcast_in_dim3A_0 = vector.broadcast %broadcast_in_dim3A : f32 to vector<16xf32>
    %swap3A = arith.constant 0 : index
    %swap3A_1 = tpu.vector_load %arg7[%swap3A] {strides = array<i32>} : memref<640xf32, #tpu.memory_space<vmem>>, vector<16xf32>,
    %swap3A_2 = vector.shape_cast %swap3A_1 : vector<16xf32> to vector<16xf32>
    %swap3A_3 = vector.shape_cast %broadcast_in_dim3A_0 : vector<16xf32> to vector<16xf32>
    tpu.vector_store %arg7[%swap3A], %swap3A_3 {strides = array<i32>} : memref<640xf32, #tpu.memory_space<vmem>>, vector<16xf32>,
    %broadcast_in_dim3A_4 = arith.constant 0.000000e+00 : f32
    %broadcast_in_dim3A_5 = vector.broadcast %broadcast_in_dim3A_4 : f32 to vector<16xf32>
    %swap3A_6 = arith.constant 16 : index
    %swap3A_7 = tpu.vector_load %arg7[%swap3A_6] {strides = array<i32>} : memref<640xf32, #tpu.memory_space<vmem>>, vector<16xf32>,
    %swap3A_8 = vector.shape_cast %swap3A_7 : vector<16xf32> to vector<16xf32>
    %swap3A_9 = vector.shape_cast %broadcast_in_dim3A_5 : vector<16xf32> to vector<16xf32>
    tpu.vector_store %arg7[%swap3A_6], %swap3A_9 {strides = array<i32>} : memref<640xf32, #tpu.memory_space<vmem>>, vector<16xf32>,
    %broadcast_in_dim3A_10 = arith.constant 0.000000e+00 : f32
    %broadcast_in_dim3A_11 = vector.broadcast %broadcast_in_dim3A_10 : f32 to vector<16xf32>
    %swap3A_12 = arith.constant 32 : index
    %swap3A_13 = tpu.vector_load %arg7[%swap3A_12] {strides = array<i32>} : memref<640xf32, #tpu.memory_space<vmem>>, vector<16xf32>,
    %swap3A_14 = vector.shape_cast %swap3A_13 : vector<16xf32> to vector<16xf32>
    %swap3A_15 = vector.shape_cast %broadcast_in_dim3A_11 : vector<16xf32> to vector<16xf32>
    tpu.vector_store %arg7[%swap3A_12], %swap3A_15 {strides = array<i32>} : memref<640xf32, #tpu.memory_space<vmem>>, vector<16xf32>,
    %broadcast_in_dim3A_16 = arith.constant 0.000000e+00 : f32
    %broadcast_in_dim3A_17 = vector.broadcast %broadcast_in_dim3A_16 : f32 to vector<16xf32>
    %swap3A_18 = arith.constant 48 : index
    %swap3A_19 = tpu.vector_load %arg7[%swap3A_18] {strides = array<i32>} : memref<640xf32, #tpu.memory_space<vmem>>, vector<16xf32>,
    %swap3A_20 = vector.shape_cast %swap3A_19 : vector<16xf32> to vector<16xf32>
    %swap3A_21 = vector.shape_cast %broadcast_in_dim3A_17 : vector<16xf32> to vector<16xf32>
    tpu.vector_store %arg7[%swap3A_18], %swap3A_21 {strides = array<i32>} : memref<640xf32, #tpu.memory_space<vmem>>, vector<16xf32>,
    %broadcast_in_dim3A_22 = arith.constant 0.000000e+00 : f32
    %broadcast_in_dim3A_23 = vector.broadcast %broadcast_in_dim3A_22 : f32 to vector<16xf32>
    %swap3A_24 = arith.constant 64 : index
    %swap3A_25 = tpu.vector_load %arg7[%swap3A_24] {strides = array<i32>} : memref<640xf32, #tpu.memory_space<vmem>>, vector<16xf32>,
    %swap3A_26 = vector.shape_cast %swap3A_25 : vector<16xf32> to vector<16xf32>
    %swap3A_27 = vector.shape_cast %broadcast_in_dim3A_23 : vector<16xf32> to vector<16xf32>
    tpu.vector_store %arg7[%swap3A_24], %swap3A_27 {strides = array<i32>} : memref<640xf32, #tpu.memory_space<vmem>>, vector<16xf32>,
    %broadcast_in_dim3A_28 = arith.constant 0.000000e+00 : f32
    %broadcast_in_dim3A_29 = vector.broadcast %broadcast_in_dim3A_28 : f32 to vector<16xf32>
    %swap3A_30 = arith.constant 80 : index
    %swap3A_31 = tpu.vector_load %arg7[%swap3A_30] {strides = array<i32>} : memref<640xf32, #tpu.memory_space<vmem>>, vector<16xf32>,
    %swap3A_32 = vector.shape_cast %swap3A_31 : vector<16xf32> to vector<16xf32>
    %swap3A_33 = vector.shape_cast %broadcast_in_dim3A_29 : vector<16xf32> to vector<16xf32>
    tpu.vector_store %arg7[%swap3A_30], %swap3A_33 {strides = array<i32>} : memref<640xf32, #tpu.memory_space<vmem>>, vector<16xf32>,
    %broadcast_in_dim3A_34 = arith.constant 0.000000e+00 : f32
    %broadcast_in_dim3A_35 = vector.broadcast %broadcast_in_dim3A_34 : f32 to vector<16xf32>
    %swap3A_36 = arith.constant 96 : index
    %swap3A_37 = tpu.vector_load %arg7[%swap3A_36] {strides = array<i32>} : memref<640xf32, #tpu.memory_space<vmem>>, vector<16xf32>,
    %swap3A_38 = vector.shape_cast %swap3A_37 : vector<16xf32> to vector<16xf32>
    %swap3A_39 = vector.shape_cast %broadcast_in_dim3A_35 : vector<16xf32> to vector<16xf32>
    tpu.vector_store %arg7[%swap3A_36], %swap3A_39 {strides = array<i32>} : memref<640xf32, #tpu.memory_space<vmem>>, vector<16xf32>,
    %broadcast_in_dim3A_40 = arith.constant 0.000000e+00 : f32
    %broadcast_in_dim3A_41 = vector.broadcast %broadcast_in_dim3A_40 : f32 to vector<16xf32>
    %swap3A_42 = arith.constant 112 : index
    %swap3A_43 = tpu.vector_load %arg7[%swap3A_42] {strides = array<i32>} : memref<640xf32, #tpu.memory_space<vmem>>, vector<16xf32>,
    %swap3A_44 = vector.shape_cast %swap3A_43 : vector<16xf32> to vector<16xf32>
    %swap3A_45 = vector.shape_cast %broadcast_in_dim3A_41 : vector<16xf32> to vector<16xf32>
    tpu.vector_store %arg7[%swap3A_42], %swap3A_45 {strides = array<i32>} : memref<640xf32, #tpu.memory_space<vmem>>, vector<16xf32>,
    %broadcast_in_dim3A_46 = arith.constant 0.000000e+00 : f32
    %broadcast_in_dim3A_47 = vector.broadcast %broadcast_in_dim3A_46 : f32 to vector<16xf32>
    %swap3A_48 = arith.constant 128 : index
    %swap3A_49 = tpu.vector_load %arg7[%swap3A_48] {strides = array<i32>} : memref<640xf32, #tpu.memory_space<vmem>>, vector<16xf32>,
    %swap3A_50 = vector.shape_cast %swap3A_49 : vector<16xf32> to vector<16xf32>
    %swap3A_51 = vector.shape_cast %broadcast_in_dim3A_47 : vector<16xf32> to vector<16xf32>
    tpu.vector_store %arg7[%swap3A_48], %swap3A_51 {strides = array<i32>} : memref<640xf32, #tpu.memory_space<vmem>>, vector<16xf32>,
    %broadcast_in_dim3A_52 = arith.constant 0.000000e+00 : f32
    %broadcast_in_dim3A_53 = vector.broadcast %broadcast_in_dim3A_52 : f32 to vector<16xf32>
    %swap3A_54 = arith.constant 144 : index
    %swap3A_55 = tpu.vector_load %arg7[%swap3A_54] {strides = array<i32>} : memref<640xf32, #tpu.memory_space<vmem>>, vector<16xf32>,
    %swap3A_56 = vector.shape_cast %swap3A_55 : vector<16xf32> to vector<16xf32>
    %swap3A_57 = vector.shape_cast %broadcast_in_dim3A_53 : vector<16xf32> to vector<16xf32>
    tpu.vector_store %arg7[%swap3A_54], %swap3A_57 {strides = array<i32>} : memref<640xf32, #tpu.memory_space<vmem>>, vector<16xf32>,
    %broadcast_in_dim3A_58 = arith.constant 0.000000e+00 : f32
    %broadcast_in_dim3A_59 = vector.broadcast %broadcast_in_dim3A_58 : f32 to vector<16xf32>
    %swap3A_60 = arith.constant 160 : index
    %swap3A_61 = tpu.vector_load %arg7[%swap3A_60] {strides = array<i32>} : memref<640xf32, #tpu.memory_space<vmem>>, vector<16xf32>,
    %swap3A_62 = vector.shape_cast %swap3A_61 : vector<16xf32> to vector<16xf32>
    %swap3A_63 = vector.shape_cast %broadcast_in_dim3A_59 : vector<16xf32> to vector<16xf32>
    tpu.vector_store %arg7[%swap3A_60], %swap3A_63 {strides = array<i32>} : memref<640xf32, #tpu.memory_space<vmem>>, vector<16xf32>,
    %broadcast_in_dim3A_64 = arith.constant 0.000000e+00 : f32
    %broadcast_in_dim3A_65 = vector.broadcast %broadcast_in_dim3A_64 : f32 to vector<16xf32>
    %swap3A_66 = arith.constant 176 : index
    %swap3A_67 = tpu.vector_load %arg7[%swap3A_66] {strides = array<i32>} : memref<640xf32, #tpu.memory_space<vmem>>, vector<16xf32>,
    %swap3A_68 = vector.shape_cast %swap3A_67 : vector<16xf32> to vector<16xf32>
    %swap3A_69 = vector.shape_cast %broadcast_in_dim3A_65 : vector<16xf32> to vector<16xf32>
    tpu.vector_store %arg7[%swap3A_66], %swap3A_69 {strides = array<i32>} : memref<640xf32, #tpu.memory_space<vmem>>, vector<16xf32>,
    %broadcast_in_dim3A_70 = arith.constant 0.000000e+00 : f32
    %broadcast_in_dim3A_71 = vector.broadcast %broadcast_in_dim3A_70 : f32 to vector<16xf32>
    %swap3A_72 = arith.constant 192 : index
    %swap3A_73 = tpu.vector_load %arg7[%swap3A_72] {strides = array<i32>} : memref<640xf32, #tpu.memory_space<vmem>>, vector<16xf32>,
    %swap3A_74 = vector.shape_cast %swap3A_73 : vector<16xf32> to vector<16xf32>
    %swap3A_75 = vector.shape_cast %broadcast_in_dim3A_71 : vector<16xf32> to vector<16xf32>
    tpu.vector_store %arg7[%swap3A_72], %swap3A_75 {strides = array<i32>} : memref<640xf32, #tpu.memory_space<vmem>>, vector<16xf32>,
    %broadcast_in_dim3A_76 = arith.constant 0.000000e+00 : f32
    %broadcast_in_dim3A_77 = vector.broadcast %broadcast_in_dim3A_76 : f32 to vector<16xf32>
    %swap3A_78 = arith.constant 208 : index
    %swap3A_79 = tpu.vector_load %arg7[%swap3A_78] {strides = array<i32>} : memref<640xf32, #tpu.memory_space<vmem>>, vector<16xf32>,
    %swap3A_80 = vector.shape_cast %swap3A_79 : vector<16xf32> to vector<16xf32>
    %swap3A_81 = vector.shape_cast %broadcast_in_dim3A_77 : vector<16xf32> to vector<16xf32>
    tpu.vector_store %arg7[%swap3A_78], %swap3A_81 {strides = array<i32>} : memref<640xf32, #tpu.memory_space<vmem>>, vector<16xf32>,
    %broadcast_in_dim3A_82 = arith.constant 0.000000e+00 : f32
    %broadcast_in_dim3A_83 = vector.broadcast %broadcast_in_dim3A_82 : f32 to vector<16xf32>
    %swap3A_84 = arith.constant 224 : index
    %swap3A_85 = tpu.vector_load %arg7[%swap3A_84] {strides = array<i32>} : memref<640xf32, #tpu.memory_space<vmem>>, vector<16xf32>,
    %swap3A_86 = vector.shape_cast %swap3A_85 : vector<16xf32> to vector<16xf32>
    %swap3A_87 = vector.shape_cast %broadcast_in_dim3A_83 : vector<16xf32> to vector<16xf32>
    tpu.vector_store %arg7[%swap3A_84], %swap3A_87 {strides = array<i32>} : memref<640xf32, #tpu.memory_space<vmem>>, vector<16xf32>,
    %broadcast_in_dim3A_88 = arith.constant 0.000000e+00 : f32
    %broadcast_in_dim3A_89 = vector.broadcast %broadcast_in_dim3A_88 : f32 to vector<16xf32>
    %swap3A_90 = arith.constant 240 : index
    %swap3A_91 = tpu.vector_load %arg7[%swap3A_90] {strides = array<i32>} : memref<640xf32, #tpu.memory_space<vmem>>, vector<16xf32>,
    %swap3A_92 = vector.shape_cast %swap3A_91 : vector<16xf32> to vector<16xf32>
    %swap3A_93 = vector.shape_cast %broadcast_in_dim3A_89 : vector<16xf32> to vector<16xf32>
    tpu.vector_store %arg7[%swap3A_90], %swap3A_93 {strides = array<i32>} : memref<640xf32, #tpu.memory_space<vmem>>, vector<16xf32>,
    %broadcast_in_dim3A_94 = arith.constant 0.000000e+00 : f32
    %broadcast_in_dim3A_95 = vector.broadcast %broadcast_in_dim3A_94 : f32 to vector<16xf32>
    %swap3A_96 = arith.constant 256 : index
    %swap3A_97 = tpu.vector_load %arg7[%swap3A_96] {strides = array<i32>} : memref<640xf32, #tpu.memory_space<vmem>>, vector<16xf32>,
    %swap3A_98 = vector.shape_cast %swap3A_97 : vector<16xf32> to vector<16xf32>
    %swap3A_99 = vector.shape_cast %broadcast_in_dim3A_95 : vector<16xf32> to vector<16xf32>
    tpu.vector_store %arg7[%swap3A_96], %swap3A_99 {strides = array<i32>} : memref<640xf32, #tpu.memory_space<vmem>>, vector<16xf32>,
    %broadcast_in_dim3A_100 = arith.constant 0.000000e+00 : f32
    %broadcast_in_dim3A_101 = vector.broadcast %broadcast_in_dim3A_100 : f32 to vector<16xf32>
    %swap3A_102 = arith.constant 272 : index
    %swap3A_103 = tpu.vector_load %arg7[%swap3A_102] {strides = array<i32>} : memref<640xf32, #tpu.memory_space<vmem>>, vector<16xf32>,
    %swap3A_104 = vector.shape_cast %swap3A_103 : vector<16xf32> to vector<16xf32>
    %swap3A_105 = vector.shape_cast %broadcast_in_dim3A_101 : vector<16xf32> to vector<16xf32>
    tpu.vector_store %arg7[%swap3A_102], %swap3A_105 {strides = array<i32>} : memref<640xf32, #tpu.memory_space<vmem>>, vector<16xf32>,
    %broadcast_in_dim3A_106 = arith.constant 0.000000e+00 : f32
    %broadcast_in_dim3A_107 = vector.broadcast %broadcast_in_dim3A_106 : f32 to vector<16xf32>
    %swap3A_108 = arith.constant 288 : index
    %swap3A_109 = tpu.vector_load %arg7[%swap3A_108] {strides = array<i32>} : memref<640xf32, #tpu.memory_space<vmem>>, vector<16xf32>,
    %swap3A_110 = vector.shape_cast %swap3A_109 : vector<16xf32> to vector<16xf32>
    %swap3A_111 = vector.shape_cast %broadcast_in_dim3A_107 : vector<16xf32> to vector<16xf32>
    tpu.vector_store %arg7[%swap3A_108], %swap3A_111 {strides = array<i32>} : memref<640xf32, #tpu.memory_space<vmem>>, vector<16xf32>,
    %broadcast_in_dim3A_112 = arith.constant 0.000000e+00 : f32
    %broadcast_in_dim3A_113 = vector.broadcast %broadcast_in_dim3A_112 : f32 to vector<16xf32>
    %swap3A_114 = arith.constant 304 : index
    %swap3A_115 = tpu.vector_load %arg7[%swap3A_114] {strides = array<i32>} : memref<640xf32, #tpu.memory_space<vmem>>, vector<16xf32>,
    %swap3A_116 = vector.shape_cast %swap3A_115 : vector<16xf32> to vector<16xf32>
    %swap3A_117 = vector.shape_cast %broadcast_in_dim3A_113 : vector<16xf32> to vector<16xf32>
    tpu.vector_store %arg7[%swap3A_114], %swap3A_117 {strides = array<i32>} : memref<640xf32, #tpu.memory_space<vmem>>, vector<16xf32>,
    %broadcast_in_dim3A_118 = arith.constant 0.000000e+00 : f32
    %broadcast_in_dim3A_119 = vector.broadcast %broadcast_in_dim3A_118 : f32 to vector<16xf32>
    %swap3A_120 = arith.constant 320 : index
    %swap3A_121 = tpu.vector_load %arg7[%swap3A_120] {strides = array<i32>} : memref<640xf32, #tpu.memory_space<vmem>>, vector<16xf32>,
    %swap3A_122 = vector.shape_cast %swap3A_121 : vector<16xf32> to vector<16xf32>
    %swap3A_123 = vector.shape_cast %broadcast_in_dim3A_119 : vector<16xf32> to vector<16xf32>
    tpu.vector_store %arg7[%swap3A_120], %swap3A_123 {strides = array<i32>} : memref<640xf32, #tpu.memory_space<vmem>>, vector<16xf32>,
    %broadcast_in_dim3A_124 = arith.constant 0.000000e+00 : f32
    %broadcast_in_dim3A_125 = vector.broadcast %broadcast_in_dim3A_124 : f32 to vector<16xf32>
    %swap3A_126 = arith.constant 336 : index
    %swap3A_127 = tpu.vector_load %arg7[%swap3A_126] {strides = array<i32>} : memref<640xf32, #tpu.memory_space<vmem>>, vector<16xf32>,
    %swap3A_128 = vector.shape_cast %swap3A_127 : vector<16xf32> to vector<16xf32>
    %swap3A_129 = vector.shape_cast %broadcast_in_dim3A_125 : vector<16xf32> to vector<16xf32>
    tpu.vector_store %arg7[%swap3A_126], %swap3A_129 {strides = array<i32>} : memref<640xf32, #tpu.memory_space<vmem>>, vector<16xf32>,
    %broadcast_in_dim3A_130 = arith.constant 0.000000e+00 : f32
    %broadcast_in_dim3A_131 = vector.broadcast %broadcast_in_dim3A_130 : f32 to vector<16xf32>
    %swap3A_132 = arith.constant 352 : index
    %swap3A_133 = tpu.vector_load %arg7[%swap3A_132] {strides = array<i32>} : memref<640xf32, #tpu.memory_space<vmem>>, vector<16xf32>,
    %swap3A_134 = vector.shape_cast %swap3A_133 : vector<16xf32> to vector<16xf32>
    %swap3A_135 = vector.shape_cast %broadcast_in_dim3A_131 : vector<16xf32> to vector<16xf32>
    tpu.vector_store %arg7[%swap3A_132], %swap3A_135 {strides = array<i32>} : memref<640xf32, #tpu.memory_space<vmem>>, vector<16xf32>,
    %broadcast_in_dim3A_136 = arith.constant 0.000000e+00 : f32
    %broadcast_in_dim3A_137 = vector.broadcast %broadcast_in_dim3A_136 : f32 to vector<16xf32>
    %swap3A_138 = arith.constant 368 : index
    %swap3A_139 = tpu.vector_load %arg7[%swap3A_138] {strides = array<i32>} : memref<640xf32, #tpu.memory_space<vmem>>, vector<16xf32>,
    %swap3A_140 = vector.shape_cast %swap3A_139 : vector<16xf32> to vector<16xf32>
    %swap3A_141 = vector.shape_cast %broadcast_in_dim3A_137 : vector<16xf32> to vector<16xf32>
    tpu.vector_store %arg7[%swap3A_138], %swap3A_141 {strides = array<i32>} : memref<640xf32, #tpu.memory_space<vmem>>, vector<16xf32>,
    %broadcast_in_dim3A_142 = arith.constant 0.000000e+00 : f32
    %broadcast_in_dim3A_143 = vector.broadcast %broadcast_in_dim3A_142 : f32 to vector<16xf32>
    %swap3A_144 = arith.constant 384 : index
    %swap3A_145 = tpu.vector_load %arg7[%swap3A_144] {strides = array<i32>} : memref<640xf32, #tpu.memory_space<vmem>>, vector<16xf32>,
    %swap3A_146 = vector.shape_cast %swap3A_145 : vector<16xf32> to vector<16xf32>
    %swap3A_147 = vector.shape_cast %broadcast_in_dim3A_143 : vector<16xf32> to vector<16xf32>
    tpu.vector_store %arg7[%swap3A_144], %swap3A_147 {strides = array<i32>} : memref<640xf32, #tpu.memory_space<vmem>>, vector<16xf32>,
    %broadcast_in_dim3A_148 = arith.constant 0.000000e+00 : f32
    %broadcast_in_dim3A_149 = vector.broadcast %broadcast_in_dim3A_148 : f32 to vector<16xf32>
    %swap3A_150 = arith.constant 400 : index
    %swap3A_151 = tpu.vector_load %arg7[%swap3A_150] {strides = array<i32>} : memref<640xf32, #tpu.memory_space<vmem>>, vector<16xf32>,
    %swap3A_152 = vector.shape_cast %swap3A_151 : vector<16xf32> to vector<16xf32>
    %swap3A_153 = vector.shape_cast %broadcast_in_dim3A_149 : vector<16xf32> to vector<16xf32>
    tpu.vector_store %arg7[%swap3A_150], %swap3A_153 {strides = array<i32>} : memref<640xf32, #tpu.memory_space<vmem>>, vector<16xf32>,
    %broadcast_in_dim3A_154 = arith.constant 0.000000e+00 : f32
    %broadcast_in_dim3A_155 = vector.broadcast %broadcast_in_dim3A_154 : f32 to vector<16xf32>
    %swap3A_156 = arith.constant 416 : index
    %swap3A_157 = tpu.vector_load %arg7[%swap3A_156] {strides = array<i32>} : memref<640xf32, #tpu.memory_space<vmem>>, vector<16xf32>,
    %swap3A_158 = vector.shape_cast %swap3A_157 : vector<16xf32> to vector<16xf32>
    %swap3A_159 = vector.shape_cast %broadcast_in_dim3A_155 : vector<16xf32> to vector<16xf32>
    tpu.vector_store %arg7[%swap3A_156], %swap3A_159 {strides = array<i32>} : memref<640xf32, #tpu.memory_space<vmem>>, vector<16xf32>,
    %broadcast_in_dim3A_160 = arith.constant 0.000000e+00 : f32
    %broadcast_in_dim3A_161 = vector.broadcast %broadcast_in_dim3A_160 : f32 to vector<16xf32>
    %swap3A_162 = arith.constant 432 : index
    %swap3A_163 = tpu.vector_load %arg7[%swap3A_162] {strides = array<i32>} : memref<640xf32, #tpu.memory_space<vmem>>, vector<16xf32>,
    %swap3A_164 = vector.shape_cast %swap3A_163 : vector<16xf32> to vector<16xf32>
    %swap3A_165 = vector.shape_cast %broadcast_in_dim3A_161 : vector<16xf32> to vector<16xf32>
    tpu.vector_store %arg7[%swap3A_162], %swap3A_165 {strides = array<i32>} : memref<640xf32, #tpu.memory_space<vmem>>, vector<16xf32>,
    %broadcast_in_dim3A_166 = arith.constant 0.000000e+00 : f32
    %broadcast_in_dim3A_167 = vector.broadcast %broadcast_in_dim3A_166 : f32 to vector<16xf32>
    %swap3A_168 = arith.constant 448 : index
    %swap3A_169 = tpu.vector_load %arg7[%swap3A_168] {strides = array<i32>} : memref<640xf32, #tpu.memory_space<vmem>>, vector<16xf32>,
    %swap3A_170 = vector.shape_cast %swap3A_169 : vector<16xf32> to vector<16xf32>
    %swap3A_171 = vector.shape_cast %broadcast_in_dim3A_167 : vector<16xf32> to vector<16xf32>
    tpu.vector_store %arg7[%swap3A_168], %swap3A_171 {strides = array<i32>} : memref<640xf32, #tpu.memory_space<vmem>>, vector<16xf32>,
    %broadcast_in_dim3A_172 = arith.constant 0.000000e+00 : f32
    %broadcast_in_dim3A_173 = vector.broadcast %broadcast_in_dim3A_172 : f32 to vector<16xf32>
    %swap3A_174 = arith.constant 464 : index
    %swap3A_175 = tpu.vector_load %arg7[%swap3A_174] {strides = array<i32>} : memref<640xf32, #tpu.memory_space<vmem>>, vector<16xf32>,
    %swap3A_176 = vector.shape_cast %swap3A_175 : vector<16xf32> to vector<16xf32>
    %swap3A_177 = vector.shape_cast %broadcast_in_dim3A_173 : vector<16xf32> to vector<16xf32>
    tpu.vector_store %arg7[%swap3A_174], %swap3A_177 {strides = array<i32>} : memref<640xf32, #tpu.memory_space<vmem>>, vector<16xf32>,
    %broadcast_in_dim3A_178 = arith.constant 0.000000e+00 : f32
    %broadcast_in_dim3A_179 = vector.broadcast %broadcast_in_dim3A_178 : f32 to vector<16xf32>
    %swap3A_180 = arith.constant 480 : index
    %swap3A_181 = tpu.vector_load %arg7[%swap3A_180] {strides = array<i32>} : memref<640xf32, #tpu.memory_space<vmem>>, vector<16xf32>,
    %swap3A_182 = vector.shape_cast %swap3A_181 : vector<16xf32> to vector<16xf32>
    %swap3A_183 = vector.shape_cast %broadcast_in_dim3A_179 : vector<16xf32> to vector<16xf32>
    tpu.vector_store %arg7[%swap3A_180], %swap3A_183 {strides = array<i32>} : memref<640xf32, #tpu.memory_space<vmem>>, vector<16xf32>,
    %broadcast_in_dim3A_184 = arith.constant 0.000000e+00 : f32
    %broadcast_in_dim3A_185 = vector.broadcast %broadcast_in_dim3A_184 : f32 to vector<16xf32>
    %swap3A_186 = arith.constant 496 : index
    %swap3A_187 = tpu.vector_load %arg7[%swap3A_186] {strides = array<i32>} : memref<640xf32, #tpu.memory_space<vmem>>, vector<16xf32>,
    %swap3A_188 = vector.shape_cast %swap3A_187 : vector<16xf32> to vector<16xf32>
    %swap3A_189 = vector.shape_cast %broadcast_in_dim3A_185 : vector<16xf32> to vector<16xf32>
    tpu.vector_store %arg7[%swap3A_186], %swap3A_189 {strides = array<i32>} : memref<640xf32, #tpu.memory_space<vmem>>, vector<16xf32>,
    %broadcast_in_dim3A_190 = arith.constant 0.000000e+00 : f32
    %broadcast_in_dim3A_191 = vector.broadcast %broadcast_in_dim3A_190 : f32 to vector<16xf32>
    %swap3A_192 = arith.constant 512 : index
    %swap3A_193 = tpu.vector_load %arg7[%swap3A_192] {strides = array<i32>} : memref<640xf32, #tpu.memory_space<vmem>>, vector<16xf32>,
    %swap3A_194 = vector.shape_cast %swap3A_193 : vector<16xf32> to vector<16xf32>
    %swap3A_195 = vector.shape_cast %broadcast_in_dim3A_191 : vector<16xf32> to vector<16xf32>
    tpu.vector_store %arg7[%swap3A_192], %swap3A_195 {strides = array<i32>} : memref<640xf32, #tpu.memory_space<vmem>>, vector<16xf32>,
    %broadcast_in_dim3A_196 = arith.constant 0.000000e+00 : f32
    %broadcast_in_dim3A_197 = vector.broadcast %broadcast_in_dim3A_196 : f32 to vector<16xf32>
    %swap3A_198 = arith.constant 528 : index
    %swap3A_199 = tpu.vector_load %arg7[%swap3A_198] {strides = array<i32>} : memref<640xf32, #tpu.memory_space<vmem>>, vector<16xf32>,
    %swap3A_200 = vector.shape_cast %swap3A_199 : vector<16xf32> to vector<16xf32>
    %swap3A_201 = vector.shape_cast %broadcast_in_dim3A_197 : vector<16xf32> to vector<16xf32>
    tpu.vector_store %arg7[%swap3A_198], %swap3A_201 {strides = array<i32>} : memref<640xf32, #tpu.memory_space<vmem>>, vector<16xf32>,
    %broadcast_in_dim3A_202 = arith.constant 0.000000e+00 : f32
    %broadcast_in_dim3A_203 = vector.broadcast %broadcast_in_dim3A_202 : f32 to vector<16xf32>
    %swap3A_204 = arith.constant 544 : index
    %swap3A_205 = tpu.vector_load %arg7[%swap3A_204] {strides = array<i32>} : memref<640xf32, #tpu.memory_space<vmem>>, vector<16xf32>,
    %swap3A_206 = vector.shape_cast %swap3A_205 : vector<16xf32> to vector<16xf32>
    %swap3A_207 = vector.shape_cast %broadcast_in_dim3A_203 : vector<16xf32> to vector<16xf32>
    tpu.vector_store %arg7[%swap3A_204], %swap3A_207 {strides = array<i32>} : memref<640xf32, #tpu.memory_space<vmem>>, vector<16xf32>,
    %broadcast_in_dim3A_208 = arith.constant 0.000000e+00 : f32
    %broadcast_in_dim3A_209 = vector.broadcast %broadcast_in_dim3A_208 : f32 to vector<16xf32>
    %swap3A_210 = arith.constant 560 : index
    %swap3A_211 = tpu.vector_load %arg7[%swap3A_210] {strides = array<i32>} : memref<640xf32, #tpu.memory_space<vmem>>, vector<16xf32>,
    %swap3A_212 = vector.shape_cast %swap3A_211 : vector<16xf32> to vector<16xf32>
    %swap3A_213 = vector.shape_cast %broadcast_in_dim3A_209 : vector<16xf32> to vector<16xf32>
    tpu.vector_store %arg7[%swap3A_210], %swap3A_213 {strides = array<i32>} : memref<640xf32, #tpu.memory_space<vmem>>, vector<16xf32>,
    %broadcast_in_dim3A_214 = arith.constant 0.000000e+00 : f32
    %broadcast_in_dim3A_215 = vector.broadcast %broadcast_in_dim3A_214 : f32 to vector<16xf32>
    %swap3A_216 = arith.constant 576 : index
    %swap3A_217 = tpu.vector_load %arg7[%swap3A_216] {strides = array<i32>} : memref<640xf32, #tpu.memory_space<vmem>>, vector<16xf32>,
    %swap3A_218 = vector.shape_cast %swap3A_217 : vector<16xf32> to vector<16xf32>
    %swap3A_219 = vector.shape_cast %broadcast_in_dim3A_215 : vector<16xf32> to vector<16xf32>
    tpu.vector_store %arg7[%swap3A_216], %swap3A_219 {strides = array<i32>} : memref<640xf32, #tpu.memory_space<vmem>>, vector<16xf32>,
    %broadcast_in_dim3A_220 = arith.constant 0.000000e+00 : f32
    %broadcast_in_dim3A_221 = vector.broadcast %broadcast_in_dim3A_220 : f32 to vector<16xf32>
    %swap3A_222 = arith.constant 592 : index
    %swap3A_223 = tpu.vector_load %arg7[%swap3A_222] {strides = array<i32>} : memref<640xf32, #tpu.memory_space<vmem>>, vector<16xf32>,
    %swap3A_224 = vector.shape_cast %swap3A_223 : vector<16xf32> to vector<16xf32>
    %swap3A_225 = vector.shape_cast %broadcast_in_dim3A_221 : vector<16xf32> to vector<16xf32>
    tpu.vector_store %arg7[%swap3A_222], %swap3A_225 {strides = array<i32>} : memref<640xf32, #tpu.memory_space<vmem>>, vector<16xf32>,
    %broadcast_in_dim3A_226 = arith.constant 0.000000e+00 : f32
    %broadcast_in_dim3A_227 = vector.broadcast %broadcast_in_dim3A_226 : f32 to vector<16xf32>
    %swap3A_228 = arith.constant 608 : index
    %swap3A_229 = tpu.vector_load %arg7[%swap3A_228] {strides = array<i32>} : memref<640xf32, #tpu.memory_space<vmem>>, vector<16xf32>,
    %swap3A_230 = vector.shape_cast %swap3A_229 : vector<16xf32> to vector<16xf32>
    %swap3A_231 = vector.shape_cast %broadcast_in_dim3A_227 : vector<16xf32> to vector<16xf32>
    tpu.vector_store %arg7[%swap3A_228], %swap3A_231 {strides = array<i32>} : memref<640xf32, #tpu.memory_space<vmem>>, vector<16xf32>,
    %broadcast_in_dim3A_232 = arith.constant 0.000000e+00 : f32
    %broadcast_in_dim3A_233 = vector.broadcast %broadcast_in_dim3A_232 : f32 to vector<16xf32>
    %swap3A_234 = arith.constant 624 : index
    %swap3A_235 = tpu.vector_load %arg7[%swap3A_234] {strides = array<i32>} : memref<640xf32, #tpu.memory_space<vmem>>, vector<16xf32>,
    %swap3A_236 = vector.shape_cast %swap3A_235 : vector<16xf32> to vector<16xf32>
    %swap3A_237 = vector.shape_cast %broadcast_in_dim3A_233 : vector<16xf32> to vector<16xf32>
    tpu.vector_store %arg7[%swap3A_234], %swap3A_237 {strides = array<i32>} : memref<640xf32, #tpu.memory_space<vmem>>, vector<16xf32>,
    %mul3A = arith.constant 624 : i32
    %mul3A_238 = arith.muli %arg1, %mul3A : i32
    "tpu.region"() ({
      %run_scoped3A = tpu.sem_alloc : memref<!tpu.dma_semaphore, #tpu.memory_space<semaphore_mem>>
      %dma_start3A = tpu.memref_slice %arg8[%mul3A_238] : memref<10000xf32, #tpu.memory_space<vmem_shared>> -> memref<640xf32, #tpu.memory_space<vmem_shared>>
      %dma_start3A_251 = tpu.memref_slice %arg8[%mul3A_238] : memref<10000xf32, #tpu.memory_space<vmem_shared>> -> memref<640xf32, #tpu.memory_space<vmem_shared>>
      tpu.enqueue_dma source(%arg7 : memref<640xf32, #tpu.memory_space<vmem>>) target(%dma_start3A_251 : memref<640xf32, #tpu.memory_space<vmem_shared>>) target_semaphore(%run_scoped3A : memref<!tpu.dma_semaphore, #tpu.memory_space<semaphore_mem>>)
      %dma_wait3A = tpu.memref_slice %arg8[%mul3A_238] : memref<10000xf32, #tpu.memory_space<vmem_shared>> -> memref<640xf32, #tpu.memory_space<vmem_shared>>
      %dma_wait3A_252 = tpu.memref_slice %arg8[%mul3A_238] : memref<10000xf32, #tpu.memory_space<vmem_shared>> -> memref<640xf32, #tpu.memory_space<vmem_shared>>
      tpu.wait_dma2 semaphore(%run_scoped3A : memref<!tpu.dma_semaphore, #tpu.memory_space<semaphore_mem>>) src(%arg7 : memref<640xf32, #tpu.memory_space<vmem>>) dst(%dma_wait3A_252 : memref<640xf32, #tpu.memory_space<vmem_shared>>)
      tpu.yield
    }) : () -> ()
    "tpu.region"() ({
      %run_scoped3A = tpu.sem_alloc : memref<!tpu.dma_semaphore, #tpu.memory_space<semaphore_mem>>
      %dma_start3A = arith.constant 0 : i32
      %dma_start3A_251 = arith.constant 0 : i32
      %dma_start3A_252 = tpu.memref_slice %arg2[%arg0, %arg1, %dma_start3A, %dma_start3A_251] : memref<2x16x50x100xi32, #tpu.memory_space<hbm>> -> memref<1x1x50x100xi32, #tpu.memory_space<hbm>>
      %dma_start3A_253 = tpu.memref_squeeze %dma_start3A_252 : memref<1x1x50x100xi32, #tpu.memory_space<hbm>> -> memref<50x100xi32, #tpu.memory_space<hbm>>
      %dma_start3A_254 = arith.constant 0 : i32
      %dma_start3A_255 = arith.constant 0 : i32
      %dma_start3A_256 = tpu.memref_slice %arg2[%arg0, %arg1, %dma_start3A_254, %dma_start3A_255] : memref<2x16x50x100xi32, #tpu.memory_space<hbm>> -> memref<1x1x50x100xi32, #tpu.memory_space<hbm>>
      %dma_start3A_257 = tpu.memref_squeeze %dma_start3A_256 : memref<1x1x50x100xi32, #tpu.memory_space<hbm>> -> memref<50x100xi32, #tpu.memory_space<hbm>>
      tpu.enqueue_dma source(%dma_start3A_257 : memref<50x100xi32, #tpu.memory_space<hbm>>) target(%arg5 : memref<50x100xi32, #tpu.memory_space<vmem>>) target_semaphore(%run_scoped3A : memref<!tpu.dma_semaphore, #tpu.memory_space<semaphore_mem>>)
      %dma_wait3A = arith.constant 0 : i32
      %dma_wait3A_258 = arith.constant 0 : i32
      %dma_wait3A_259 = tpu.memref_slice %arg2[%arg0, %arg1, %dma_wait3A, %dma_wait3A_258] : memref<2x16x50x100xi32, #tpu.memory_space<hbm>> -> memref<1x1x50x100xi32, #tpu.memory_space<hbm>>
      %dma_wait3A_260 = tpu.memref_squeeze %dma_wait3A_259 : memref<1x1x50x100xi32, #tpu.memory_space<hbm>> -> memref<50x100xi32, #tpu.memory_space<hbm>>
      %dma_wait3A_261 = arith.constant 0 : i32
      %dma_wait3A_262 = arith.constant 0 : i32
      %dma_wait3A_263 = tpu.memref_slice %arg2[%arg0, %arg1, %dma_wait3A_261, %dma_wait3A_262] : memref<2x16x50x100xi32, #tpu.memory_space<hbm>> -> memref<1x1x50x100xi32, #tpu.memory_space<hbm>>
      %dma_wait3A_264 = tpu.memref_squeeze %dma_wait3A_263 : memref<1x1x50x100xi32, #tpu.memory_space<hbm>> -> memref<50x100xi32, #tpu.memory_space<hbm>>
      tpu.wait_dma2 semaphore(%run_scoped3A : memref<!tpu.dma_semaphore, #tpu.memory_space<semaphore_mem>>) src(%dma_wait3A_264 : memref<50x100xi32, #tpu.memory_space<hbm>>) dst(%arg5 : memref<50x100xi32, #tpu.memory_space<vmem>>)
      tpu.yield
    }) : () -> ()
    "tpu.region"() ({
      %run_scoped3A = tpu.sem_alloc : memref<!tpu.dma_semaphore, #tpu.memory_space<semaphore_mem>>
      %dma_start3A = arith.constant 0 : i32
      %dma_start3A_251 = arith.constant 0 : i32
      %dma_start3A_252 = tpu.memref_slice %arg3[%arg0, %arg1, %dma_start3A, %dma_start3A_251] : memref<2x16x50x100xf32, #tpu.memory_space<hbm>> -> memref<1x1x50x100xf32, #tpu.memory_space<hbm>>
      %dma_start3A_253 = tpu.memref_squeeze %dma_start3A_252 : memref<1x1x50x100xf32, #tpu.memory_space<hbm>> -> memref<50x100xf32, #tpu.memory_space<hbm>>
      %dma_start3A_254 = arith.constant 0 : i32
      %dma_start3A_255 = arith.constant 0 : i32
      %dma_start3A_256 = tpu.memref_slice %arg3[%arg0, %arg1, %dma_start3A_254, %dma_start3A_255] : memref<2x16x50x100xf32, #tpu.memory_space<hbm>> -> memref<1x1x50x100xf32, #tpu.memory_space<hbm>>
      %dma_start3A_257 = tpu.memref_squeeze %dma_start3A_256 : memref<1x1x50x100xf32, #tpu.memory_space<hbm>> -> memref<50x100xf32, #tpu.memory_space<hbm>>
      tpu.enqueue_dma source(%dma_start3A_257 : memref<50x100xf32, #tpu.memory_space<hbm>>) target(%arg6 : memref<50x100xf32, #tpu.memory_space<vmem>>) target_semaphore(%run_scoped3A : memref<!tpu.dma_semaphore, #tpu.memory_space<semaphore_mem>>)
      %dma_wait3A = arith.constant 0 : i32
      %dma_wait3A_258 = arith.constant 0 : i32
      %dma_wait3A_259 = tpu.memref_slice %arg3[%arg0, %arg1, %dma_wait3A, %dma_wait3A_258] : memref<2x16x50x100xf32, #tpu.memory_space<hbm>> -> memref<1x1x50x100xf32, #tpu.memory_space<hbm>>
      %dma_wait3A_260 = tpu.memref_squeeze %dma_wait3A_259 : memref<1x1x50x100xf32, #tpu.memory_space<hbm>> -> memref<50x100xf32, #tpu.memory_space<hbm>>
      %dma_wait3A_261 = arith.constant 0 : i32
      %dma_wait3A_262 = arith.constant 0 : i32
      %dma_wait3A_263 = tpu.memref_slice %arg3[%arg0, %arg1, %dma_wait3A_261, %dma_wait3A_262] : memref<2x16x50x100xf32, #tpu.memory_space<hbm>> -> memref<1x1x50x100xf32, #tpu.memory_space<hbm>>
      %dma_wait3A_264 = tpu.memref_squeeze %dma_wait3A_263 : memref<1x1x50x100xf32, #tpu.memory_space<hbm>> -> memref<50x100xf32, #tpu.memory_space<hbm>>
      tpu.wait_dma2 semaphore(%run_scoped3A : memref<!tpu.dma_semaphore, #tpu.memory_space<semaphore_mem>>) src(%dma_wait3A_264 : memref<50x100xf32, #tpu.memory_space<hbm>>) dst(%arg6 : memref<50x100xf32, #tpu.memory_space<vmem>>)
      tpu.yield
    }) : () -> ()
    %barrier3A = arith.constant 0 : index
    tpu.barrier barrier_id(%barrier3A)
    %scan3A = arith.constant 0 : i32
    %scan3A_239 = arith.constant 0 : i32
    %scan3A_240 = arith.constant 50 : i32
    %scan3A_241 = arith.addi %scan3A_239, %scan3A_240 : i32
    %scan3A_242 = arith.constant 1 : i32
    scf.for %scan3A_251 = %scan3A_239 to %scan3A_241 step %scan3A_242  : i32 {
      "tpu.region"() ({
        %run_scoped3A = tpu.sem_alloc : memref<!tpu.dma_semaphore, #tpu.memory_space<semaphore_mem>>
        %dma_start3A = arith.constant 0 : i32
        %dma_start3A_252 = tpu.memref_slice %arg6[%scan3A_251, %dma_start3A] : memref<50x100xf32, #tpu.memory_space<vmem>> -> memref<1x100xf32, #tpu.memory_space<vmem>>
        %dma_start3A_253 = tpu.memref_squeeze %dma_start3A_252 : memref<1x100xf32, #tpu.memory_space<vmem>> -> memref<100xf32, #tpu.memory_space<vmem>>
        %dma_start3A_254 = arith.constant 0 : i32
        %dma_start3A_255 = tpu.memref_slice %arg5[%scan3A_251, %dma_start3A_254] : memref<50x100xi32, #tpu.memory_space<vmem>> -> memref<1x100xi32, #tpu.memory_space<vmem>>
        %dma_start3A_256 = tpu.memref_squeeze %dma_start3A_255 : memref<1x100xi32, #tpu.memory_space<vmem>> -> memref<100xi32, #tpu.memory_space<vmem>>
        %dma_start3A_257 = arith.constant 0 : i32
        %dma_start3A_258 = tpu.memref_slice %arg8[%dma_start3A_257] : memref<10000xf32, #tpu.memory_space<vmem_shared>> -> memref<10000xf32, #tpu.memory_space<vmem_shared>>
        tpu.enqueue_indirect_dma source(%dma_start3A_253 : memref<100xf32, #tpu.memory_space<vmem>>) target(%dma_start3A_258 : memref<10000xf32, #tpu.memory_space<vmem_shared>>) offsets(%dma_start3A_256 : memref<100xi32, #tpu.memory_space<vmem>>) semaphore(%run_scoped3A : memref<!tpu.dma_semaphore, #tpu.memory_space<semaphore_mem>>) {add = true}
        %dma_wait3A = arith.constant 0 : i32
        %dma_wait3A_259 = tpu.memref_slice %arg6[%scan3A_251, %dma_wait3A] : memref<50x100xf32, #tpu.memory_space<vmem>> -> memref<1x100xf32, #tpu.memory_space<vmem>>
        %dma_wait3A_260 = tpu.memref_squeeze %dma_wait3A_259 : memref<1x100xf32, #tpu.memory_space<vmem>> -> memref<100xf32, #tpu.memory_space<vmem>>
        %dma_wait3A_261 = arith.constant 0 : i32
        %dma_wait3A_262 = tpu.memref_slice %arg5[%scan3A_251, %dma_wait3A_261] : memref<50x100xi32, #tpu.memory_space<vmem>> -> memref<1x100xi32, #tpu.memory_space<vmem>>
        %dma_wait3A_263 = tpu.memref_squeeze %dma_wait3A_262 : memref<1x100xi32, #tpu.memory_space<vmem>> -> memref<100xi32, #tpu.memory_space<vmem>>
        %dma_wait3A_264 = arith.constant 0 : i32
        %dma_wait3A_265 = tpu.memref_slice %arg8[%dma_wait3A_264] : memref<10000xf32, #tpu.memory_space<vmem_shared>> -> memref<10000xf32, #tpu.memory_space<vmem_shared>>
        tpu.wait_indirect_dma semaphore(%run_scoped3A : memref<!tpu.dma_semaphore, #tpu.memory_space<semaphore_mem>>) src(%dma_wait3A_260 : memref<100xf32, #tpu.memory_space<vmem>>) dst(%dma_wait3A_265 : memref<10000xf32, #tpu.memory_space<vmem_shared>>)
        tpu.yield
      }) : () -> ()
    }
    %scan3A_243 = arith.constant 50 : i32
    %barrier3A_244 = arith.constant 0 : index
    tpu.barrier barrier_id(%barrier3A_244)
    %mul3A_245 = arith.constant 624 : i32
    %mul3A_246 = arith.muli %arg1, %mul3A_245 : i32
    "tpu.region"() ({
      %run_scoped3A = tpu.sem_alloc : memref<!tpu.dma_semaphore, #tpu.memory_space<semaphore_mem>>
      %dma_start3A = tpu.memref_slice %arg8[%mul3A_246] : memref<10000xf32, #tpu.memory_space<vmem_shared>> -> memref<640xf32, #tpu.memory_space<vmem_shared>>
      %dma_start3A_251 = tpu.memref_slice %arg8[%mul3A_246] : memref<10000xf32, #tpu.memory_space<vmem_shared>> -> memref<640xf32, #tpu.memory_space<vmem_shared>>
      tpu.enqueue_dma source(%dma_start3A_251 : memref<640xf32, #tpu.memory_space<vmem_shared>>) target(%arg7 : memref<640xf32, #tpu.memory_space<vmem>>) target_semaphore(%run_scoped3A : memref<!tpu.dma_semaphore, #tpu.memory_space<semaphore_mem>>)
      %dma_wait3A = tpu.memref_slice %arg8[%mul3A_246] : memref<10000xf32, #tpu.memory_space<vmem_shared>> -> memref<640xf32, #tpu.memory_space<vmem_shared>>
      %dma_wait3A_252 = tpu.memref_slice %arg8[%mul3A_246] : memref<10000xf32, #tpu.memory_space<vmem_shared>> -> memref<640xf32, #tpu.memory_space<vmem_shared>>
      tpu.wait_dma2 semaphore(%run_scoped3A : memref<!tpu.dma_semaphore, #tpu.memory_space<semaphore_mem>>) src(%dma_wait3A_252 : memref<640xf32, #tpu.memory_space<vmem_shared>>) dst(%arg7 : memref<640xf32, #tpu.memory_space<vmem>>)
      tpu.yield
    }) : () -> ()
    %mul3A_247 = arith.constant 10000 : i32
    %mul3A_248 = arith.muli %arg0, %mul3A_247 : i32
    %mul3A_249 = arith.constant 624 : i32
    %mul3A_250 = arith.muli %arg1, %mul3A_249 : i32
    %add3A = arith.addi %mul3A_248, %mul3A_250 : i32
    "tpu.region"() ({
      %run_scoped3A = tpu.sem_alloc : memref<!tpu.dma_semaphore, #tpu.memory_space<semaphore_mem>>
      %dma_start3A = tpu.memref_slice %arg4[%add3A] : memref<20000xf32, #tpu.memory_space<hbm>> -> memref<640xf32, #tpu.memory_space<hbm>>
      %dma_start3A_251 = tpu.memref_slice %arg4[%add3A] : memref<20000xf32, #tpu.memory_space<hbm>> -> memref<640xf32, #tpu.memory_space<hbm>>
      tpu.enqueue_dma source(%arg7 : memref<640xf32, #tpu.memory_space<vmem>>) target(%dma_start3A_251 : memref<640xf32, #tpu.memory_space<hbm>>) target_semaphore(%run_scoped3A : memref<!tpu.dma_semaphore, #tpu.memory_space<semaphore_mem>>)
      %dma_wait3A = tpu.memref_slice %arg4[%add3A] : memref<20000xf32, #tpu.memory_space<hbm>> -> memref<640xf32, #tpu.memory_space<hbm>>
      %dma_wait3A_252 = tpu.memref_slice %arg4[%add3A] : memref<20000xf32, #tpu.memory_space<hbm>> -> memref<640xf32, #tpu.memory_space<hbm>>
      tpu.wait_dma2 semaphore(%run_scoped3A : memref<!tpu.dma_semaphore, #tpu.memory_space<semaphore_mem>>) src(%arg7 : memref<640xf32, #tpu.memory_space<vmem>>) dst(%dma_wait3A_252 : memref<640xf32, #tpu.memory_space<hbm>>)
      tpu.yield
    }) : () -> ()
    return
  }
}

</mosaic_0001>

<sc_bundles>
// kernel: _sc_deg.3.cloned.1.call-start
scs
__scs_entry_jumppad:
0x0: {  	(pc) =	sbr.rel $0x88, $3  }
0x1: {  	(tag) =	ssettag $0x0;
	lr =	simm.s32 $0x1  }
0x2: {  	[smem:$0x3F9F] =	sst lr;
	_ =	strace $0xD0000000  }
0x3: {  	_ = 	snop  }
0x4: {  	_ = 	snop  }
0x5: {  	_ = 	snop  }
0x6: {  	_ = 	snop  }
0x7: {  	_ = 	snop  }
__scs_overlays_trampoline_lowered:
0x8: {  	[smem:$0x3FAE] =	sst s0  }
0x9: {  	[smem:$0x3FAF] =	sst s1  }
0xa: {  	[smem:$0x3FB0] =	sst s2  }
0xb: {  	[smem:$0x3FB1] =	sst s3  }
0xc: {  	[smem:$0x3FB2] =	sst s4  }
0xd: {  	[smem:$0x3FB3] =	sst s5  }
0xe: {  	[smem:$0x3FB4] =	sst s6  }
0xf: {  	[smem:$0x3FB5] =	sst s7  }
0x10: {  	[smem:$0x3FB6] =	sst s8  }
0x11: {  	[smem:$0x3FB7] =	sst s9;
	s0 =	simm.s32 @!p0 $0x0  }
0x12: {  	s1 =	sld [smem:$0x3F9D];
	s0 =	simm.s32 @p0 $0x1  }
0x13: {  	[smem:$0x3FB8] =	sst s0;
	s0 =	simm.s32 @!p1 $0x0  }
0x14: {  	s2 =	sld [smem:$0x3F9C];
	s0 =	simm.s32 @p1 $0x1  }
0x15: {  	[smem:$0x3FB9] =	sst s0;
	s0 =	simm.s32 @!p2 $0x0  }
0x16: {  	s3 =	sld [smem:$0x3FDB];
	s0 =	simm.s32 @p2 $0x1  }
0x17: {  	s4 =	simm.s32 $0x1BF5;
	[smem:$0x3FBB] =	sst s0  }
0x18: {  	s0 =	sld [smem:$0x3F9E];
	_ =	swait.ge [sflag:s4], $0x0  }
0x19: {  	s7 =	sld [smem:$0x3F9F]  }
0x1a: {  	s8 =	sadd.s32 $0xFFFFE003, lr  }
0x1b: {  	s9 =	sadd.s32 $0xFFFFFEF7, lr;
	s5 =	simm.s32 $0xFFFFFFFF;
	p2 =	slt.u32 s8, $0xFFFFF086  }
0x1c: {  	p1 =	slt.u32 s9, $0xF7A;
	s5 =	simm.s32 @!p2 $0x0  }
0x1d: {  	s5 =	simm.s32 @p1 $0x1;
	p0 =	seq.s32 s7, s2  }
0x1e: {  	s7 =	smul.u32 @!p0 $0xF7A, s2;
	p2 =	seq.s32 @!p0 s5, $0x0  }
0x1f: {  	s9 =	smul.u32 $0xF7A, s1;
	s8 =	simm.s32 @!p0 $0x1BF5;
	p2 =	por !p2, p0  }
0x20: {  	[sflag:s8] =	ssyncset.s32 @!p0 $0xFFFFF086;
	s6 =	sadd.s32 @!p0 s3, s7;
	s7 =	simm.s32 @!p0 $0x108  }
0x21: {  	s3 =	sadd.s32 s3, s9;
	s6 =	sadd.s32 @!p0 $0x88, s6;
	s7 =	simm.s32 @p2 $0x1082  }
0x22: {  	[simem:s7], [sflag:s8] =	dma.local @!p0 [hbm:s6], $0xF7A  }
0x23: {  	s9 =	sor.u32 $0xD0000000, s2;
	s6 =	simm.s32 $0x108;
	_ =	swait.ge @!p0 [sflag:s8], $0x0  }
0x24: {  	s3 =	sadd.s32 $0x88, s3;
	s6 =	simm.s32 @!p1 $0x1082;
	[sflag:s4] =	ssyncset.s32 $0xFFFFF086  }
0x25: {  	[simem:s6], [sflag:s4] =	dma.local [hbm:s3], $0xF7A  }
0x26: {  	[smem:$0x3F9F] =	sst s1;
	(tag) =	ssettag s2;
	_ =	strace s9  }
0x27: {  	s1 =	sld [smem:$0x3FAF]  }
0x28: {  	s2 =	sld [smem:$0x3FB0]  }
0x29: {  	s4 =	sld [smem:$0x3FB2]  }
0x2a: {  	p0 =	seq.s32 s5, $0x0;
	s5 =	sld [smem:$0x3FB3]  }
0x2b: {  	s6 =	sld [smem:$0x3FB4]  }
0x2c: {  	s7 =	sld [smem:$0x3FB5]  }
0x2d: {  	s3 =	simm.s32 $0x108;
	s8 =	sld [smem:$0x3FB6]  }
0x2e: {  	s3 =	simm.s32 @!p0 $0x1082;
	s9 =	sld [smem:$0x3FB7]  }
0x2f: {  	lr =	sadd.s32 s0, s3;
	s0 =	sld [smem:$0x3FAE]  }
0x30: {  	s3 =	sld [smem:$0x3FB1]  }
0x31: {  	[smem:$0x3FBA] =	sst s10  }
0x32: {  	s10 =	sld [smem:$0x3FB8];
	_ =	sdelay $0x3  }
0x33: {  	p0 =	seq.s32 s10, $0x1;
	s10 =	sld [smem:$0x3FBA];
	_ =	sdelay $0x3  }
0x34: {  	[smem:$0x3FBA] =	sst s10  }
0x35: {  	s10 =	sld [smem:$0x3FB9];
	_ =	sdelay $0x3  }
0x36: {  	p1 =	seq.s32 s10, $0x1;
	s10 =	sld [smem:$0x3FBA];
	_ =	sdelay $0x3  }
0x37: {  	[smem:$0x3FBA] =	sst s10  }
0x38: {  	s10 =	sld [smem:$0x3FBB]  }
0x39: {  	_ = 	snop;
	(pc) =	sbr.ind lr, $3  }
0x3a: {  	_ = 	snop  }
0x3b: {  	_ = 	snop  }
0x3c: {  	p2 =	seq.s32 s10, $0x1;
	s10 =	sld [smem:$0x3FBA]  }
0x3d: {  	_ =	shalt  }
0x3e: {  	_ =	shalt  }
0x3f: {  	_ =	shalt  }
0x40: {  	_ =	shalt  }
0x41: {  	_ =	shalt  }
0x42: {  	_ =	shalt  }
0x43: {  	_ =	shalt  }
0x44: {  	_ =	shalt  }
0x45: {  	_ =	shalt  }
0x46: {  	_ =	shalt  }
0x47: {  	_ =	shalt  }
0x48: {  	_ =	shalt  }
0x49: {  	_ =	shalt  }
0x4a: {  	_ =	shalt  }
0x4b: {  	_ =	shalt  }
0x4c: {  	_ =	shalt  }
0x4d: {  	_ =	shalt  }
0x4e: {  	_ =	shalt  }
0x4f: {  	_ =	shalt  }
0x50: {  	_ =	shalt  }
0x51: {  	_ =	shalt  }
0x52: {  	_ =	shalt  }
0x53: {  	_ =	shalt  }
0x54: {  	_ =	shalt  }
0x55: {  	_ =	shalt  }
0x56: {  	_ =	shalt  }
0x57: {  	_ =	shalt  }
0x58: {  	_ =	shalt  }
0x59: {  	_ =	shalt  }
0x5a: {  	_ =	shalt  }
0x5b: {  	_ =	shalt  }
0x5c: {  	_ =	shalt  }
0x5d: {  	_ =	shalt  }
0x5e: {  	_ =	shalt  }
0x5f: {  	_ =	shalt  }
0x60: {  	_ =	shalt  }
0x61: {  	_ =	shalt  }
0x62: {  	_ =	shalt  }
0x63: {  	_ =	shalt  }
0x64: {  	_ =	shalt  }
0x65: {  	_ =	shalt  }
0x66: {  	_ =	shalt  }
0x67: {  	_ =	shalt  }
0x68: {  	_ =	shalt  }
0x69: {  	_ =	shalt  }
0x6a: {  	_ =	shalt  }
0x6b: {  	_ =	shalt  }
0x6c: {  	_ =	shalt  }
0x6d: {  	_ =	shalt  }
0x6e: {  	_ =	shalt  }
0x6f: {  	_ =	shalt  }
0x70: {  	_ =	shalt  }
0x71: {  	_ =	shalt  }
0x72: {  	_ =	shalt  }
0x73: {  	_ =	shalt  }
0x74: {  	_ =	shalt  }
0x75: {  	_ =	shalt  }
0x76: {  	_ =	shalt  }
0x77: {  	_ =	shalt  }
0x78: {  	_ =	shalt  }
0x79: {  	_ =	shalt  }
0x7a: {  	_ =	shalt  }
0x7b: {  	_ =	shalt  }
0x7c: {  	_ =	shalt  }
0x7d: {  	_ =	shalt  }
0x7e: {  	_ =	shalt  }
0x7f: {  	_ =	shalt  }
0x80: {  	_ =	shalt  }
0x81: {  	_ =	shalt  }
0x82: {  	_ =	shalt  }
0x83: {  	_ =	shalt  }
0x84: {  	_ =	shalt  }
0x85: {  	_ =	shalt  }
0x86: {  	_ =	shalt  }
0x87: {  	_ =	shalt  }
.Lfunc_end0:
.L_simem_size_0:
called_computation_lowered:
.L_overlay_start_0:
0x88: {  	s2 =	sld [smem:$0x3FD9]  }
0x89: {  	s3 =	sld [smem:$0x3FFE];
	_ =	sdelay $0x1  }
0x8a: {  	s1 =	srdreg.scid  }
0x8b: {  	s0 =	sand.u32 $0x1, s1  }
0x8c: {  	s17 =	sshll.u32 s0, $0xA;
	s2 =	sadd.s32 s3, s2  }
0x8d: {  	s2 =	sadd.s32 s2, s17  }
0x8e: {  	[smem:$0x3FC6] =	sst s2  }
0x8f: {  	_ = 	snop  }
0x90: {  	s2 =	sld [smem:$0x3FD0];
	(tm) =	ssettm $0x1  }
0x91: {  	s18 =	sld [smem:$0x3FFB];
	_ =	sdelay $0x3  }
0x92: {  	_ =	strace s18  }
0x93: {  	s3 =	sld [smem:$0x3FFC];
	_ =	sdelay $0x3  }
0x94: {  	_ =	strace s3  }
0x95: {  	s3 =	sld [smem:$0x3FFD];
	_ =	sdelay $0x3  }
0x96: {  	_ =	strace s3  }
0x97: {  	_ =	strace $0x8FFFFFFF  }
0x98: {  	s19 =	sld [smem:$0x3FDB];
	_ =	sdelay $0x1  }
0x99: {  	s4 =	simm.s32 $_scs_section_size  }
0x9a: {  	s5 =	simm.s32 $_size__tile_overlayer_lowered;
	s6 =	simm.s32 $_tile_overlayer_lowered  }
0x9b: {  	s22 =	simm.s32 $0x1BFF;
	s21 =	sshll.u32 s6, $0x1;
	s3 =	sadd.s32 s4, s19  }
0x9c: {  	s7 =	simm.s32 $0x0;
	s20 =	sshll.u32 s5, $0x1;
	s5 =	sadd.s32 s21, s3  }
0x9d: {  	[timem:s7], [sflag:s22] =	dma.local [hbm:s5], s20  }
0x9e: {  	_ =	swait.ge [sflag:s22], s20  }
0x9f: {  	s4 =	ssub.s32 $0x0, s20;
	[sflag:s22] =	ssyncset.done $0x0  }
0xa0: {  	[sflag:s22] =	ssyncadd.s32 s4;
	_ =	sdelay $0x1  }
0xa1: {  	s23 =	simm.s32 $0x1B8B  }
0xa2: {  	_ =	swait.ge [sflag:s23], $0x1  }
0xa3: {  	[sflag:s23] =	ssyncset.done $0x0  }
0xa4: {  	s25 =	simm.s32 $0x1B8E;
	s24 =	sld [smem:$0x3FFE];
	[sflag:s23] =	ssyncadd.s32 $0xFFFFFFFF  }
0xa5: {  	s26 =	simm.s32 $execute0_lowered;
	[smem:$0x3FD2] =	sst s25  }
0xa6: {  	s5 =	sshll.u32 s26, $0x1;
	_ =	strace $0x80000046;
	[dreg:$0x1] =	wrdreg $0xFFFFFFFF  }
0xa7: {  	s28 =	simm.s32 $_size_execute0_lowered;
	s3 =	sadd.s32 s3, s5;
	[dreg:$0x0] =	wrdreg $0x0  }
0xa8: {  	s5 =	sshll.u32 s28, $0x1;
	[dreg:$0x2] =	wrdreg s3  }
0xa9: {  	[dreg:$0x3] =	wrdreg s5  }
0xaa: {  	[dreg:$0x4] =	wrdreg $0xC0  }
0xab: {  	_ =	task [dreg:s7], $0x5FFFF  }
0xac: {  	[dreg:$0x1] =	wrdreg $0xFFFFFFFF  }
0xad: {  	[dreg:$0x0] =	wrdreg $0x60  }
0xae: {  	[dreg:$0x2] =	wrdreg s24  }
0xaf: {  	[dreg:$0x3] =	wrdreg s2  }
0xb0: {  	[dreg:$0x4] =	wrdreg $0x3A800  }
0xb1: {  	[dreg:$0x5] =	wrdreg $0x9  }
0xb2: {  	_ =	task.clear_ibuf [dreg:s7], $0x6FFFF;
	_ =	strace $0x90000046  }
0xb3: {  	s29 =	simm.s32 $0x9;
	_ =	strace $0x80000048  }
0xb4: {  	_ =	swait.ge [sflag:s29], $0x1  }
0xb5: {  	[sflag:s29] =	ssyncadd.s32 $0xFFFFFFFF  }
0xb6: {  	_ =	strace $0x90000048  }
0xb7: {  	_ =	sfence  }
0xb8: {  	s30 =	sld [smem:$0x0];
	_ =	sdelay $0x2  }
0xb9: {  	s31 =	sshll.u32 s1, $0xD;
	s1 =	sshrl.u32 s1, $0x2  }
0xba: {  	s3 =	sand.u32 $0x4000, s31;
	s1 =	sadd.s32 s1, s30  }
0xbb: {  	s0 =	sor.u32 s3, s0;
	s1 =	sshll.u32 s1, $0x11  }
0xbc: {  	s0 =	sor.u32 s1, s0  }
0xbd: {  	s0 =	sadd.s32 $0x8F2B, s0  }
0xbe: {  	[sflag:s0] =	ssyncadd.remote.s32 $0x1  }
0xbf: {  	_ =	sfence.sel $0xFFFF  }
0xc0: {  	[dreg:$0x0] =	wrdreg $0xFFFFFFFF;
	(pc) =	sbr.abs _section_cstart, $3  }
0xc1: {  	[dreg:$0x1] =	wrdreg $0xFFFFFFFF  }
0xc2: {  	_ =	task.clear_ibuf [dreg:s7], $0x2FFFF;
	_ =	strace $0x9FFFFFFF  }
0xc3: {  	(tm) =	ssettm $0x7FFFFFFF  }
tec
execute0_lowered:
.L_overlay_start_1:
0x0: {  	(tag) =	ssettag $0x1  }
0x1: {  	s4 =	rddreg [dreg:$0x0]  }
0x2: {  	s7 =	rddreg [dreg:$0x1]  }
0x3: {  	s0 =	srdreg.scid;
	s2 =	rddreg [dreg:$0x2]  }
0x4: {  	s1 =	rddreg [dreg:$0x3];
	s5 =	sand.u32 $0x1, s0  }
0x5: {  	s0 =	stileid.u32;
	s6 =	smul.u32 $0x1C000, s5  }
0x6: {  	s3 =	simm.s32 $0x0;
	s11 =	simm.s32 $0x1C00;
	s8 =	smul.u32 $0x1C00, s0  }
0x7: {  	s12 =	simm.s32 $0x64;
	s13 =	simm.s32 $0x0;
	s9 =	smul.u32 $0x270, s0  }
0x8: {  	[smem:$0x7FF] =	sst s3;
	s30 =	smul.u32 $0x2710, s5;
	s5 =	ssub.s32 $0x2, s5  }
0x9: {  	_ =	strace $0x80000047;
	s31 =	sshrl.u32 s5, $0x1;
	s6 =	sadd.s32 s8, s6  }
0xa: {  	s8 =	sadd.s32 s9, s30;
	s10 =	ssub.s32 s5, s31;
	s6 =	sshrl.u32 s6, $0x3  }
0xb: {  	s8 =	sshrl.u32 s8, $0x3;
	s6 =	sadd.s32 s6, s4;
	s4 =	sadd.s32 s9, s2  }
0xc: {  	s7 =	sadd.s32 s7, s8;
	s8 =	smax.u32 s10, $0x1;
	s9 =	simm.s32 $0x3800  }
0xd: {  	v0 =	vimm.f32 $0.0e+00;
	s10 =	simm.s32 $0x1;
	s5 =	sadd.s32 $0x600, s6;
	s6 =	sadd.s32 $0x7600, s6  }
.LBB2_1:
0xe: {  	[tilespmem:$0x3800] =	vst v0  }
0xf: {  	[tilespmem:$0x3810] =	vst v0  }
0x10: {  	[tilespmem:$0x3820] =	vst v0  }
0x11: {  	[tilespmem:$0x3830] =	vst v0  }
0x12: {  	[tilespmem:$0x3840] =	vst v0  }
0x13: {  	[tilespmem:$0x3850] =	vst v0  }
0x14: {  	[tilespmem:$0x3860] =	vst v0  }
0x15: {  	[tilespmem:$0x3870] =	vst v0  }
0x16: {  	[tilespmem:$0x3880] =	vst v0  }
0x17: {  	[tilespmem:$0x3890] =	vst v0  }
0x18: {  	[tilespmem:$0x38A0] =	vst v0  }
0x19: {  	[tilespmem:$0x38B0] =	vst v0  }
0x1a: {  	[tilespmem:$0x38C0] =	vst v0  }
0x1b: {  	[tilespmem:$0x38D0] =	vst v0  }
0x1c: {  	[tilespmem:$0x38E0] =	vst v0  }
0x1d: {  	[tilespmem:$0x38F0] =	vst v0  }
0x1e: {  	[tilespmem:$0x3900] =	vst v0  }
0x1f: {  	[tilespmem:$0x3910] =	vst v0  }
0x20: {  	[tilespmem:$0x3920] =	vst v0  }
0x21: {  	[tilespmem:$0x3930] =	vst v0  }
0x22: {  	[tilespmem:$0x3940] =	vst v0  }
0x23: {  	[tilespmem:$0x3950] =	vst v0  }
0x24: {  	[tilespmem:$0x3960] =	vst v0  }
0x25: {  	[tilespmem:$0x3970] =	vst v0  }
0x26: {  	[tilespmem:$0x3980] =	vst v0  }
0x27: {  	[tilespmem:$0x3990] =	vst v0  }
0x28: {  	[tilespmem:$0x39A0] =	vst v0  }
0x29: {  	[tilespmem:$0x39B0] =	vst v0  }
0x2a: {  	[tilespmem:$0x39C0] =	vst v0  }
0x2b: {  	[tilespmem:$0x39D0] =	vst v0  }
0x2c: {  	[tilespmem:$0x39E0] =	vst v0  }
0x2d: {  	[tilespmem:$0x39F0] =	vst v0  }
0x2e: {  	[tilespmem:$0x3A00] =	vst v0  }
0x2f: {  	[tilespmem:$0x3A10] =	vst v0  }
0x30: {  	[tilespmem:$0x3A20] =	vst v0  }
0x31: {  	[tilespmem:$0x3A30] =	vst v0  }
0x32: {  	[tilespmem:$0x3A40] =	vst v0  }
0x33: {  	[tilespmem:$0x3A50] =	vst v0  }
0x34: {  	[tilespmem:$0x3A60] =	vst v0  }
0x35: {  	[tilespmem:$0x3A70] =	vst v0  }
0x36: {  	[spmem:s4] =	stream.linear.scatter [tilespmem:s9], [sflag:$0x1], $0x280, $0x38;
	[tilespmem:$0x3CF8] =	vst v63  }
0x37: {  	_ =	swait.ge [sflag:s10], $0x280  }
0x38: {  	[sflag:s10] =	ssyncset.done $0x0  }
0x39: {  	[sflag:s10] =	ssyncadd.s32 $0xFFFFFD80  }
0x3a: {  	[tilespmem:s3], [sflag:$0x1] =	stream.linear.gather [hbm4b:s5+s3], $0x1900, $0x38;
	[tilespmem:$0x3CF8] =	vst v63  }
0x3b: {  	_ =	swait.ge [sflag:s10], $0x1900  }
0x3c: {  	[sflag:s10] =	ssyncset.done $0x0  }
0x3d: {  	[sflag:s10] =	ssyncadd.s32 $0xFFFFE700  }
0x3e: {  	[tilespmem:s11], [sflag:$0x1] =	stream.linear.gather [hbm4b:s6+s3], $0x1900, $0x38;
	[tilespmem:$0x3CF8] =	vst v63  }
0x3f: {  	_ =	swait.ge [sflag:s10], $0x1900  }
0x40: {  	[sflag:s10] =	ssyncset.done $0x0  }
0x41: {  	[sflag:s10] =	ssyncadd.s32 $0xFFFFE700  }
0x42: {  	s14 =	simm.s32 $0x0;
	s15 =	simm.s32 $0x1C00;
	[bflag:$0x0] =	sbarrier.arrive $0xFFFF  }
0x43: {  	[spmem:s2] =	stream.indirect.scatter.add.f32 [tilespmem:s15], [sflag:$0x1], $0x1, s14, s12, $0xb8;
	[tilespmem:$0x3CF8] =	vst v63  }
0x44: {  	s14 =	simm.s32 $0x200;
	_ =	swait.ge [sflag:s10], $0x64  }
.LBB2_2:
0x45: {  	s15 =	sshra.s32 s14, $0x2;
	[sflag:s10] =	ssyncset.done $0x0;
	p0 =	sne.s32 s14, $0x6200  }
.Ltmp0:
0x46: {  	s16 =	sadd.s32 $0x1C00, s15;
	[sflag:s10] =	ssyncadd.s32 $0xFFFFFF9C;
	(pc) =	sbr.rel @p0 .LBB2_2-.Ltmp0, $3  }
0x47: {  	[spmem:s2] =	stream.indirect.scatter.add.f32 [tilespmem:s16], [sflag:$0x1], $0x1, s15, s12, $0xb8;
	[tilespmem:$0x3CF8] =	vst v63  }
0x48: {  	s14 =	sadd.s32 $0x200, s14;
	_ =	sdelay $0x1  }
0x49: {  	_ =	swait.ge [sflag:s10], $0x64  }
0x4a: {  	[sflag:s10] =	ssyncset.done $0x0  }
0x4b: {  	[sflag:s10] =	ssyncadd.s32 $0xFFFFFF9C  }
0x4c: {  	[bflag:$0x0] =	sbarrier.arrive $0xFFFF  }
0x4d: {  	[tilespmem:s9], [sflag:$0x1] =	stream.linear.gather [spmem:s4], $0x280, $0x38;
	[tilespmem:$0x3CF8] =	vst v63  }
0x4e: {  	s13 =	sadd.s32 $0x1, s13;
	_ =	swait.ge [sflag:s10], $0x280  }
0x4f: {  	p0 =	sne.s32 s13, s8;
	[sflag:s10] =	ssyncset.done $0x0  }
.Ltmp1:
0x50: {  	[sflag:s10] =	ssyncadd.s32 $0xFFFFFD80;
	(pc) =	sbr.rel @p0 .LBB2_1-.Ltmp1, $4  }
0x51: {  	[hbm4b:s7+s3] =	stream.linear.scatter [tilespmem:s9], [sflag:$0x1], $0x280, $0x38;
	[tilespmem:$0x3CF8] =	vst v63  }
0x52: {  	_ =	swait.ge [sflag:s10], $0x280  }
0x53: {  	[sflag:s10] =	ssyncset.done $0x0  }
0x54: {  	[sflag:s10] =	ssyncadd.s32 $0xFFFFFD80  }
0x55: {  	_ =	sfence.sel $0x180000  }
0x56: {  	[bflag:$0x0] =	sbarrier.arrive $0xFFFF  }
0x57: {  	p0 =	sne.s32 s0, $0x0;
	_ =	strace $0x90000047  }
0x58: {  	s0 =	sadd.s32 @!p0 $0x100000, s1;
	[bflag:$0x2] =	sbarrier.arrive $0xFFFF  }
0x59: {  	[sflag:s0] =	ssyncadd.tile.s32 @!p0 $0x1;
	_ =	shalt  }
.Lfunc_end2:
_tile_overlayer_lowered:
.L_overlay_start_2:
0x5a: {  	(tag) =	ssettag $0x2  }
0x5b: {  	s0 =	rddreg [dreg:$0x0];
	s2 =	stileid.u32  }
0x5c: {  	s1 =	rddreg [dreg:$0x1];
	p0 =	sne.s32 s2, $0x0  }
0x5d: {  	s3 =	rddreg [dreg:$0x2];
	[bflag:$0x3] =	sbarrier.arrive $0xFFFF;
	s2 =	simm.s32 @!p0 $0x1C01  }
0x5e: {  	[timem:s3], [sflag:s2] =	dma.local @!p0 [hbm:s0], s1  }
0x5f: {  	s0 =	simm.s32 @!p0 $0x1  }
0x60: {  	_ =	swait.ge @!p0 [sflag:s0], s1  }
0x61: {  	s1 =	ssub.s32 @!p0 $0x0, s1;
	[sflag:s0] =	ssyncset.done @!p0 $0x0  }
0x62: {  	[sflag:s0] =	ssyncadd.s32 @!p0 s1  }
0x63: {  	[bflag:$0x3] =	sbarrier.arrive $0xFFFF  }
0x64: {  	_ =	shalt  }

</sc_bundles>
